<compile_context>
chip_gen: v7x
topology: tpu7x:2x2x1
jax: 0.10.2.dev20260603
libtpu: 0.0.44.dev20260713+nightly
codegen_flags: <defaults>
</compile_context>

<pallas_src>
import functools

import jax
import jax.numpy as jnp
from jax import lax
from jax.experimental import pallas as pl
from jax.experimental.pallas import tpu as pltpu
from jax.experimental.pallas import tpu_sc as plsc


def _sc_gather(table, idx, n_frames, dim):
    n_workers = 8
    rows_per_w = n_frames // n_workers

    mesh = plsc.VectorSubcoreMesh(core_axis_name="c", subcore_axis_name="s")

    @functools.partial(
        pl.kernel,
        mesh=mesh,
        out_type=jax.ShapeDtypeStruct((n_frames, dim), jnp.float32),
        scratch_types=[
            pltpu.VMEM((rows_per_w,), jnp.int32),
            pltpu.VMEM((rows_per_w, dim), jnp.float32),
            pltpu.SemaphoreType.DMA,
        ],
    )
    def gather_kernel(table_hbm, idx_hbm, out_hbm, idx_v, rows_v, sem):
        wid = lax.axis_index("s") * 2 + lax.axis_index("c")

        @pl.when(wid < n_workers)
        def _():
            base = wid * rows_per_w
            pltpu.sync_copy(idx_hbm.at[pl.ds(base, rows_per_w)], idx_v)
            pltpu.async_copy(table_hbm.at[idx_v], rows_v, sem).wait()
            pltpu.sync_copy(rows_v, out_hbm.at[pl.ds(base, rows_per_w)])

    return gather_kernel(table, idx)


def _tc_broadcast_body(colmat_ref, out_ref):
    i = pl.program_id(0)
    dim, nf = colmat_ref.shape
    hw = out_ref.shape[2]
    sel = lax.broadcasted_iota(jnp.int32, (dim, nf), 1) == i
    col = jnp.sum(jnp.where(sel, colmat_ref[...], 0.0), axis=1, keepdims=True)
    out_ref[...] = jnp.broadcast_to(col.reshape(1, dim, 1), (1, dim, hw))


def kernel(spatialPos, numFrames, frameIndices, frameEmbed):
    _, _, height, width = spatialPos.shape
    n_frames = frameIndices.shape[0]
    dim = frameEmbed.shape[1]
    hw = height * width

    gathered = _sc_gather(frameEmbed, frameIndices.astype(jnp.int32),
                          n_frames, dim)
    gathered_t = gathered.T

    out = pl.pallas_call(
        _tc_broadcast_body,
        grid=(n_frames,),
        in_specs=[pl.BlockSpec((dim, n_frames), lambda i: (0, 0))],
        out_specs=pl.BlockSpec((1, dim, hw), lambda i: (i, 0, 0)),
        out_shape=jax.ShapeDtypeStruct((n_frames, dim, hw), jnp.float32),
    )(gathered_t)

    return out.reshape(n_frames, dim, height, width)

# --- scband reference (transcript-rebuilt; emitter-appended) ---
"""Pipeline reference for scband-temporal-position-encoding-89318139888170 (READ-ONLY COPY).

The authoritative reference and input builder live on the scoring server;
editing this copy changes nothing except your own understanding.
"""

import jax, jax.numpy as jnp
import numpy as np


def setup_inputs(seed: int = 0) -> dict:
    key = jax.random.key(seed)
    k1, k2, k3 = jax.random.split(key, 3)
    spatialPos = jax.random.normal(k1, (4, 256, 32, 32), dtype=jnp.float32)
    frameIndices = jax.random.randint(k2, (64,), 0, 100, dtype=jnp.int64 if jax.config.jax_enable_x64 else jnp.int32)
    frameEmbed = jax.random.uniform(k3, (100, 256), dtype=jnp.float32)  # nn.init.uniform_ on Embedding(100, 256)
    return {
        "spatialPos": spatialPos,
        "numFrames": 64,
        "frameIndices": frameIndices,
        "frameEmbed": frameEmbed,
    }


def reference(spatialPos, numFrames, frameIndices, frameEmbed):
    # TemporalPositionEncoding.forward with temporalType='learned'
    batchSize, channels, height, width = spatialPos.shape
    nfStatic = frameIndices.shape[0]
    # learned embedding lookup: frameEmbed(frameIndices.long()) -> [numFrames, hiddenDim]
    temporalEnc = jnp.take(frameEmbed, frameIndices, axis=0)
    # view(numFrames, -1, 1, 1)
    temporalEnc = temporalEnc.reshape(nfStatic, -1, 1, 1)
    # expand(-1, -1, height, width) -> [numFrames, C, H, W]
    temporalEnc = jnp.broadcast_to(temporalEnc, (nfStatic, temporalEnc.shape[1], height, width))
    temporalEnc = temporalEnc + ((jnp.asarray(numFrames) - nfStatic) * 0).astype(temporalEnc.dtype)
    return temporalEnc

if __name__ == "__main__":
    import jax
    _d = setup_inputs()
    print(jax.jit(kernel)(*tuple(_d.values())))

</pallas_src>

<mosaic_0001>
#map = affine_map<(d0, d1) -> (0, 0)>
#map1 = affine_map<(d0, d1) -> (0)>
module attributes {stable_mosaic.version = 14 : i64} {
  func.func @gather_kernel(%arg0: i32, %arg1: i32, %arg2: memref<100x256xf32, #tpu.memory_space<hbm>>, %arg3: memref<64xi32, #tpu.memory_space<hbm>>, %arg4: memref<64x256xf32, #tpu.memory_space<hbm>>, %arg5: memref<8xi32, #tpu.memory_space<vmem>>, %arg6: memref<8x256xf32, #tpu.memory_space<vmem>>, %arg7: memref<!tpu.dma_semaphore, #tpu.memory_space<semaphore_mem>>) attributes {dimension_semantics = [#tpu.dimension_semantics<core_parallel>, #tpu.dimension_semantics<subcore_parallel>], iteration_bounds = array<i64: 2, 16>, scalar_prefetch = 0 : i64, scratch_operands = 3 : i64, tpu.core_type = #tpu.core_type<sc_vector_subcore>, window_params = [{transform_indices = #map}, {transform_indices = #map1}, {transform_indices = #map}]} {
    %mul3A = arith.constant 2 : i32
    %mul3A_0 = arith.muli %arg1, %mul3A : i32
    %add3A = arith.addi %mul3A_0, %arg0 : i32
    %lt3A = arith.constant 8 : i32
    %lt3A_1 = arith.cmpi slt, %add3A, %lt3A : i32
    %convert_element_type3A = arith.extui %lt3A_1 : i1 to i32
    %cond3A = arith.constant 0 : i32
    %cond3A_2 = arith.cmpi ne, %convert_element_type3A, %cond3A : i32
    scf.if %cond3A_2 {
      %mul3A_3 = arith.constant 8 : i32
      %mul3A_4 = arith.muli %add3A, %mul3A_3 : i32
      "tpu.region"() ({
        %run_scoped3A = tpu.sem_alloc : memref<!tpu.dma_semaphore, #tpu.memory_space<semaphore_mem>>
        %dma_start3A_9 = tpu.memref_slice %arg3[%mul3A_4] : memref<64xi32, #tpu.memory_space<hbm>> -> memref<8xi32, #tpu.memory_space<hbm>>
        %dma_start3A_10 = tpu.memref_slice %arg3[%mul3A_4] : memref<64xi32, #tpu.memory_space<hbm>> -> memref<8xi32, #tpu.memory_space<hbm>>
        tpu.enqueue_dma source(%dma_start3A_10 : memref<8xi32, #tpu.memory_space<hbm>>) target(%arg5 : memref<8xi32, #tpu.memory_space<vmem>>) target_semaphore(%run_scoped3A : memref<!tpu.dma_semaphore, #tpu.memory_space<semaphore_mem>>)
        %dma_wait3A_11 = tpu.memref_slice %arg3[%mul3A_4] : memref<64xi32, #tpu.memory_space<hbm>> -> memref<8xi32, #tpu.memory_space<hbm>>
        %dma_wait3A_12 = tpu.memref_slice %arg3[%mul3A_4] : memref<64xi32, #tpu.memory_space<hbm>> -> memref<8xi32, #tpu.memory_space<hbm>>
        tpu.wait_dma2 semaphore(%run_scoped3A : memref<!tpu.dma_semaphore, #tpu.memory_space<semaphore_mem>>) src(%dma_wait3A_12 : memref<8xi32, #tpu.memory_space<hbm>>) dst(%arg5 : memref<8xi32, #tpu.memory_space<vmem>>)
        tpu.yield
      }) : () -> ()
      %dma_start3A = arith.constant 0 : i32
      %dma_start3A_5 = arith.constant 0 : i32
      %dma_start3A_6 = tpu.memref_slice %arg2[%dma_start3A, %dma_start3A_5] : memref<100x256xf32, #tpu.memory_space<hbm>> -> memref<100x256xf32, #tpu.memory_space<hbm>>
      tpu.enqueue_indirect_dma source(%dma_start3A_6 : memref<100x256xf32, #tpu.memory_space<hbm>>) target(%arg6 : memref<8x256xf32, #tpu.memory_space<vmem>>) offsets(%arg5 : memref<8xi32, #tpu.memory_space<vmem>>) semaphore(%arg7 : memref<!tpu.dma_semaphore, #tpu.memory_space<semaphore_mem>>)
      %dma_wait3A = arith.constant 0 : i32
      %dma_wait3A_7 = arith.constant 0 : i32
      %dma_wait3A_8 = tpu.memref_slice %arg2[%dma_wait3A, %dma_wait3A_7] : memref<100x256xf32, #tpu.memory_space<hbm>> -> memref<100x256xf32, #tpu.memory_space<hbm>>
      tpu.wait_indirect_dma semaphore(%arg7 : memref<!tpu.dma_semaphore, #tpu.memory_space<semaphore_mem>>) src(%dma_wait3A_8 : memref<100x256xf32, #tpu.memory_space<hbm>>) dst(%arg6 : memref<8x256xf32, #tpu.memory_space<vmem>>)
      "tpu.region"() ({
        %run_scoped3A = tpu.sem_alloc : memref<!tpu.dma_semaphore, #tpu.memory_space<semaphore_mem>>
        %dma_start3A_9 = arith.constant 0 : i32
        %dma_start3A_10 = tpu.memref_slice %arg4[%mul3A_4, %dma_start3A_9] : memref<64x256xf32, #tpu.memory_space<hbm>> -> memref<8x256xf32, #tpu.memory_space<hbm>>
        %dma_start3A_11 = arith.constant 0 : i32
        %dma_start3A_12 = tpu.memref_slice %arg4[%mul3A_4, %dma_start3A_11] : memref<64x256xf32, #tpu.memory_space<hbm>> -> memref<8x256xf32, #tpu.memory_space<hbm>>
        tpu.enqueue_dma source(%arg6 : memref<8x256xf32, #tpu.memory_space<vmem>>) target(%dma_start3A_12 : memref<8x256xf32, #tpu.memory_space<hbm>>) target_semaphore(%run_scoped3A : memref<!tpu.dma_semaphore, #tpu.memory_space<semaphore_mem>>)
        %dma_wait3A_13 = arith.constant 0 : i32
        %dma_wait3A_14 = tpu.memref_slice %arg4[%mul3A_4, %dma_wait3A_13] : memref<64x256xf32, #tpu.memory_space<hbm>> -> memref<8x256xf32, #tpu.memory_space<hbm>>
        %dma_wait3A_15 = arith.constant 0 : i32
        %dma_wait3A_16 = tpu.memref_slice %arg4[%mul3A_4, %dma_wait3A_15] : memref<64x256xf32, #tpu.memory_space<hbm>> -> memref<8x256xf32, #tpu.memory_space<hbm>>
        tpu.wait_dma2 semaphore(%run_scoped3A : memref<!tpu.dma_semaphore, #tpu.memory_space<semaphore_mem>>) src(%arg6 : memref<8x256xf32, #tpu.memory_space<vmem>>) dst(%dma_wait3A_16 : memref<8x256xf32, #tpu.memory_space<hbm>>)
        tpu.yield
      }) : () -> ()
    } else {
    }
    return
  }
}

module attributes {stable_mosaic.version = 14 : i64} {
  func.func @_tc_broadcast_body(%arg0: i32, %arg1: memref<256x64xf32, #tpu.memory_space<vmem>>, %arg2: memref<1x256x1024xf32, #tpu.memory_space<vmem>>) attributes {dimension_semantics = [#tpu.dimension_semantics<arbitrary>], iteration_bounds = array<i64: 64>, scalar_prefetch = 0 : i64, scratch_operands = 0 : i64, tpu.core_type = #tpu.core_type<tc>, window_params = [{pipeline_mode = #tpu.pipeline_mode<synchronous>, transform_indices = @transform_0, window_bounds = array<i64: 256, 64>}, {transform_indices = @transform_1, window_bounds = array<i64: 1, 256, 1024>}]} {
    %iota3A = tpu.iota {dimensions = array<i32: 1>} : vector<256x64xi32>
    %eq3A = vector.broadcast %arg0 : i32 to vector<256x64xi32>
    %eq3A_0 = arith.cmpi eq, %iota3A, %eq3A : vector<256x64xi32>
    %get3A = arith.constant 0 : index
    %get3A_1 = arith.constant 0 : index
    %get3A_2 = vector.load %arg1[%get3A, %get3A_1] : memref<256x64xf32, #tpu.memory_space<vmem>>, vector<256x64xf32>
    %jit3A = arith.constant 0.000000e+00 : f32
    %broadcast_in_dim3A = vector.broadcast %jit3A : f32 to vector<256x64xf32>
    %select_n3A = arith.select %eq3A_0, %get3A_2, %broadcast_in_dim3A : vector<256x64xi1>, vector<256x64xf32>
    %reduce_sum3A = arith.constant dense<0.000000e+00> : vector<256xf32>
    %reduce_sum3A_3 = vector.multi_reduction <add>, %select_n3A, %reduce_sum3A [1] : vector<256x64xf32> to vector<256xf32>
    %broadcast_in_dim3A_4 = vector.shape_cast %reduce_sum3A_3 : vector<256xf32> to vector<256x1xf32>
    %reshape3A = vector.shape_cast %broadcast_in_dim3A_4 : vector<256x1xf32> to vector<1x256x1xf32>
    %broadcast_in_dim3A_5 = vector.shape_cast %reshape3A : vector<1x256x1xf32> to vector<1x256x1xf32>
    %broadcast_in_dim3A_6 = vector.broadcast %broadcast_in_dim3A_5 : vector<1x256x1xf32> to vector<1x256x1024xf32>
    %swap3A = arith.constant 0 : index
    %swap3A_7 = arith.constant 0 : index
    %swap3A_8 = arith.constant 0 : index
    %swap3A_9 = vector.load %arg2[%swap3A, %swap3A_7, %swap3A_8] : memref<1x256x1024xf32, #tpu.memory_space<vmem>>, vector<1x256x1024xf32>
    tpu.vector_store %arg2[%swap3A, %swap3A_7, %swap3A_8], %broadcast_in_dim3A_6 {strides = array<i32>} : memref<1x256x1024xf32, #tpu.memory_space<vmem>>, vector<1x256x1024xf32>,
    return
  }
  func.func @transform_0(%arg0: i32) -> (i32, i32) {
    %c0_i32 = arith.constant 0 : i32
    %c0_i32_0 = arith.constant 0 : i32
    %c0_i32_1 = arith.constant 0 : i32
    return %c0_i32, %c0_i32_0 : i32, i32
  }
  func.func @transform_1(%arg0: i32) -> (i32, i32, i32) {
    %c0_i32 = arith.constant 0 : i32
    %c0_i32_0 = arith.constant 0 : i32
    %c0_i32_1 = arith.constant 0 : i32
    return %arg0, %c0_i32, %c0_i32_0 : i32, i32, i32
  }
}

</mosaic_0001>

<sc_bundles>
// kernel: kernel.4.cloned.1.call-start
scs
__scs_entry_jumppad:
0x0: {  	(pc) =	sbr.rel $0x88, $3  }
0x1: {  	(tag) =	ssettag $0x0;
	lr =	simm.s32 $0x1  }
0x2: {  	[smem:$0x3F9F] =	sst lr;
	_ =	strace $0xD0000000  }
0x3: {  	_ = 	snop  }
0x4: {  	_ = 	snop  }
0x5: {  	_ = 	snop  }
0x6: {  	_ = 	snop  }
0x7: {  	_ = 	snop  }
__scs_overlays_trampoline_lowered:
0x8: {  	[smem:$0x3FAE] =	sst s0  }
0x9: {  	[smem:$0x3FAF] =	sst s1  }
0xa: {  	[smem:$0x3FB0] =	sst s2  }
0xb: {  	[smem:$0x3FB1] =	sst s3  }
0xc: {  	[smem:$0x3FB2] =	sst s4  }
0xd: {  	[smem:$0x3FB3] =	sst s5  }
0xe: {  	[smem:$0x3FB4] =	sst s6  }
0xf: {  	[smem:$0x3FB5] =	sst s7  }
0x10: {  	[smem:$0x3FB6] =	sst s8  }
0x11: {  	[smem:$0x3FB7] =	sst s9;
	s0 =	simm.s32 @!p0 $0x0  }
0x12: {  	s1 =	sld [smem:$0x3F9D];
	s0 =	simm.s32 @p0 $0x1  }
0x13: {  	[smem:$0x3FB8] =	sst s0;
	s0 =	simm.s32 @!p1 $0x0  }
0x14: {  	s2 =	sld [smem:$0x3F9C];
	s0 =	simm.s32 @p1 $0x1  }
0x15: {  	[smem:$0x3FB9] =	sst s0;
	s0 =	simm.s32 @!p2 $0x0  }
0x16: {  	s3 =	sld [smem:$0x3FDB];
	s0 =	simm.s32 @p2 $0x1  }
0x17: {  	s4 =	simm.s32 $0x1BF5;
	[smem:$0x3FBB] =	sst s0  }
0x18: {  	s0 =	sld [smem:$0x3F9E];
	_ =	swait.ge [sflag:s4], $0x0  }
0x19: {  	s7 =	sld [smem:$0x3F9F]  }
0x1a: {  	s8 =	sadd.s32 $0xFFFFE003, lr  }
0x1b: {  	s9 =	sadd.s32 $0xFFFFFEF7, lr;
	s5 =	simm.s32 $0xFFFFFFFF;
	p2 =	slt.u32 s8, $0xFFFFF086  }
0x1c: {  	p1 =	slt.u32 s9, $0xF7A;
	s5 =	simm.s32 @!p2 $0x0  }
0x1d: {  	s5 =	simm.s32 @p1 $0x1;
	p0 =	seq.s32 s7, s2  }
0x1e: {  	s7 =	smul.u32 @!p0 $0xF7A, s2;
	p2 =	seq.s32 @!p0 s5, $0x0  }
0x1f: {  	s9 =	smul.u32 $0xF7A, s1;
	s8 =	simm.s32 @!p0 $0x1BF5;
	p2 =	por !p2, p0  }
0x20: {  	[sflag:s8] =	ssyncset.s32 @!p0 $0xFFFFF086;
	s6 =	sadd.s32 @!p0 s3, s7;
	s7 =	simm.s32 @!p0 $0x108  }
0x21: {  	s3 =	sadd.s32 s3, s9;
	s6 =	sadd.s32 @!p0 $0x88, s6;
	s7 =	simm.s32 @p2 $0x1082  }
0x22: {  	[simem:s7], [sflag:s8] =	dma.local @!p0 [hbm:s6], $0xF7A  }
0x23: {  	s9 =	sor.u32 $0xD0000000, s2;
	s6 =	simm.s32 $0x108;
	_ =	swait.ge @!p0 [sflag:s8], $0x0  }
0x24: {  	s3 =	sadd.s32 $0x88, s3;
	s6 =	simm.s32 @!p1 $0x1082;
	[sflag:s4] =	ssyncset.s32 $0xFFFFF086  }
0x25: {  	[simem:s6], [sflag:s4] =	dma.local [hbm:s3], $0xF7A  }
0x26: {  	[smem:$0x3F9F] =	sst s1;
	(tag) =	ssettag s2;
	_ =	strace s9  }
0x27: {  	s1 =	sld [smem:$0x3FAF]  }
0x28: {  	s2 =	sld [smem:$0x3FB0]  }
0x29: {  	s4 =	sld [smem:$0x3FB2]  }
0x2a: {  	p0 =	seq.s32 s5, $0x0;
	s5 =	sld [smem:$0x3FB3]  }
0x2b: {  	s6 =	sld [smem:$0x3FB4]  }
0x2c: {  	s7 =	sld [smem:$0x3FB5]  }
0x2d: {  	s3 =	simm.s32 $0x108;
	s8 =	sld [smem:$0x3FB6]  }
0x2e: {  	s3 =	simm.s32 @!p0 $0x1082;
	s9 =	sld [smem:$0x3FB7]  }
0x2f: {  	lr =	sadd.s32 s0, s3;
	s0 =	sld [smem:$0x3FAE]  }
0x30: {  	s3 =	sld [smem:$0x3FB1]  }
0x31: {  	[smem:$0x3FBA] =	sst s10  }
0x32: {  	s10 =	sld [smem:$0x3FB8];
	_ =	sdelay $0x3  }
0x33: {  	p0 =	seq.s32 s10, $0x1;
	s10 =	sld [smem:$0x3FBA];
	_ =	sdelay $0x3  }
0x34: {  	[smem:$0x3FBA] =	sst s10  }
0x35: {  	s10 =	sld [smem:$0x3FB9];
	_ =	sdelay $0x3  }
0x36: {  	p1 =	seq.s32 s10, $0x1;
	s10 =	sld [smem:$0x3FBA];
	_ =	sdelay $0x3  }
0x37: {  	[smem:$0x3FBA] =	sst s10  }
0x38: {  	s10 =	sld [smem:$0x3FBB]  }
0x39: {  	_ = 	snop;
	(pc) =	sbr.ind lr, $3  }
0x3a: {  	_ = 	snop  }
0x3b: {  	_ = 	snop  }
0x3c: {  	p2 =	seq.s32 s10, $0x1;
	s10 =	sld [smem:$0x3FBA]  }
0x3d: {  	_ =	shalt  }
0x3e: {  	_ =	shalt  }
0x3f: {  	_ =	shalt  }
0x40: {  	_ =	shalt  }
0x41: {  	_ =	shalt  }
0x42: {  	_ =	shalt  }
0x43: {  	_ =	shalt  }
0x44: {  	_ =	shalt  }
0x45: {  	_ =	shalt  }
0x46: {  	_ =	shalt  }
0x47: {  	_ =	shalt  }
0x48: {  	_ =	shalt  }
0x49: {  	_ =	shalt  }
0x4a: {  	_ =	shalt  }
0x4b: {  	_ =	shalt  }
0x4c: {  	_ =	shalt  }
0x4d: {  	_ =	shalt  }
0x4e: {  	_ =	shalt  }
0x4f: {  	_ =	shalt  }
0x50: {  	_ =	shalt  }
0x51: {  	_ =	shalt  }
0x52: {  	_ =	shalt  }
0x53: {  	_ =	shalt  }
0x54: {  	_ =	shalt  }
0x55: {  	_ =	shalt  }
0x56: {  	_ =	shalt  }
0x57: {  	_ =	shalt  }
0x58: {  	_ =	shalt  }
0x59: {  	_ =	shalt  }
0x5a: {  	_ =	shalt  }
0x5b: {  	_ =	shalt  }
0x5c: {  	_ =	shalt  }
0x5d: {  	_ =	shalt  }
0x5e: {  	_ =	shalt  }
0x5f: {  	_ =	shalt  }
0x60: {  	_ =	shalt  }
0x61: {  	_ =	shalt  }
0x62: {  	_ =	shalt  }
0x63: {  	_ =	shalt  }
0x64: {  	_ =	shalt  }
0x65: {  	_ =	shalt  }
0x66: {  	_ =	shalt  }
0x67: {  	_ =	shalt  }
0x68: {  	_ =	shalt  }
0x69: {  	_ =	shalt  }
0x6a: {  	_ =	shalt  }
0x6b: {  	_ =	shalt  }
0x6c: {  	_ =	shalt  }
0x6d: {  	_ =	shalt  }
0x6e: {  	_ =	shalt  }
0x6f: {  	_ =	shalt  }
0x70: {  	_ =	shalt  }
0x71: {  	_ =	shalt  }
0x72: {  	_ =	shalt  }
0x73: {  	_ =	shalt  }
0x74: {  	_ =	shalt  }
0x75: {  	_ =	shalt  }
0x76: {  	_ =	shalt  }
0x77: {  	_ =	shalt  }
0x78: {  	_ =	shalt  }
0x79: {  	_ =	shalt  }
0x7a: {  	_ =	shalt  }
0x7b: {  	_ =	shalt  }
0x7c: {  	_ =	shalt  }
0x7d: {  	_ =	shalt  }
0x7e: {  	_ =	shalt  }
0x7f: {  	_ =	shalt  }
0x80: {  	_ =	shalt  }
0x81: {  	_ =	shalt  }
0x82: {  	_ =	shalt  }
0x83: {  	_ =	shalt  }
0x84: {  	_ =	shalt  }
0x85: {  	_ =	shalt  }
0x86: {  	_ =	shalt  }
0x87: {  	_ =	shalt  }
.Lfunc_end0:
.L_simem_size_0:
called_computation_lowered:
.L_overlay_start_0:
0x88: {  	s2 =	sld [smem:$0x3FD9]  }
0x89: {  	s3 =	sld [smem:$0x3FFE];
	_ =	sdelay $0x1  }
0x8a: {  	s1 =	srdreg.scid  }
0x8b: {  	s0 =	sand.u32 $0x1, s1  }
0x8c: {  	s18 =	sshll.u32 s0, $0xA;
	s2 =	sadd.s32 s3, s2  }
0x8d: {  	s2 =	sadd.s32 s2, s18  }
0x8e: {  	[smem:$0x3FC6] =	sst s2  }
0x8f: {  	_ = 	snop  }
0x90: {  	s2 =	sld [smem:$0x3FC9]  }
0x91: {  	s19 =	sld [smem:$0x3FC8]  }
0x92: {  	s4 =	sld [smem:$0x3FD0];
	(tm) =	ssettm $0x1  }
0x93: {  	s5 =	sld [smem:$0x3FFB];
	_ =	sdelay $0x3  }
0x94: {  	_ =	strace s5  }
0x95: {  	s5 =	sld [smem:$0x3FFC];
	_ =	sdelay $0x3  }
0x96: {  	_ =	strace s5  }
0x97: {  	s5 =	sld [smem:$0x3FFD];
	_ =	sdelay $0x3  }
0x98: {  	_ =	strace s5  }
0x99: {  	_ =	strace $0x8FFFFFFF  }
0x9a: {  	s20 =	sld [smem:$0x3FDB];
	_ =	sdelay $0x1  }
0x9b: {  	s6 =	simm.s32 $_scs_section_size  }
0x9c: {  	s7 =	simm.s32 $_size__tile_overlayer_lowered;
	s8 =	simm.s32 $_tile_overlayer_lowered  }
0x9d: {  	s23 =	simm.s32 $0x1BFF;
	s22 =	sshll.u32 s8, $0x1;
	s5 =	sadd.s32 s6, s20  }
0x9e: {  	s9 =	simm.s32 $0x0;
	s21 =	sshll.u32 s7, $0x1;
	s7 =	sadd.s32 s22, s5  }
0x9f: {  	[timem:s9], [sflag:s23] =	dma.local [hbm:s7], s21  }
0xa0: {  	_ =	swait.ge [sflag:s23], s21  }
0xa1: {  	s6 =	ssub.s32 $0x0, s21;
	[sflag:s23] =	ssyncset.done $0x0  }
0xa2: {  	[sflag:s23] =	ssyncadd.s32 s6;
	_ =	sdelay $0x1  }
0xa3: {  	s24 =	simm.s32 $0x1B8B  }
0xa4: {  	_ =	swait.ge [sflag:s24], $0x1  }
0xa5: {  	[sflag:s24] =	ssyncset.done $0x0  }
0xa6: {  	s25 =	simm.s32 $0x1B8E;
	[sflag:s24] =	ssyncadd.s32 $0xFFFFFFFF  }
0xa7: {  	s26 =	simm.s32 $execute0_lowered;
	[smem:$0x3FD2] =	sst s25  }
0xa8: {  	s6 =	sshll.u32 s26, $0x1;
	_ =	strace $0x80000046;
	[dreg:$0x1] =	wrdreg $0xFFFFFFFF  }
0xa9: {  	s28 =	simm.s32 $_size_execute0_lowered;
	s5 =	sadd.s32 s5, s6;
	[dreg:$0x0] =	wrdreg $0x0  }
0xaa: {  	s6 =	sshll.u32 s28, $0x1;
	[dreg:$0x2] =	wrdreg s5  }
0xab: {  	[dreg:$0x3] =	wrdreg s6  }
0xac: {  	[dreg:$0x4] =	wrdreg $0xC0  }
0xad: {  	_ =	task [dreg:s9], $0x5FFFF  }
0xae: {  	[dreg:$0x1] =	wrdreg $0xFFFFFFFF  }
0xaf: {  	[dreg:$0x0] =	wrdreg $0x60  }
0xb0: {  	[dreg:$0x2] =	wrdreg s19  }
0xb1: {  	[dreg:$0x3] =	wrdreg s2  }
0xb2: {  	[dreg:$0x4] =	wrdreg s4  }
0xb3: {  	[dreg:$0x5] =	wrdreg $0x9  }
0xb4: {  	_ =	task.clear_ibuf [dreg:s9], $0x6FFFF;
	_ =	strace $0x90000046  }
0xb5: {  	s29 =	simm.s32 $0x9;
	_ =	strace $0x80000048  }
0xb6: {  	_ =	swait.ge [sflag:s29], $0x1  }
0xb7: {  	[sflag:s29] =	ssyncadd.s32 $0xFFFFFFFF  }
0xb8: {  	_ =	strace $0x90000048  }
0xb9: {  	_ =	sfence  }
0xba: {  	s30 =	sld [smem:$0x0];
	_ =	sdelay $0x2  }
0xbb: {  	s31 =	sshll.u32 s1, $0xD;
	s1 =	sshrl.u32 s1, $0x2  }
0xbc: {  	s3 =	sand.u32 $0x4000, s31;
	s1 =	sadd.s32 s1, s30  }
0xbd: {  	s0 =	sor.u32 s3, s0;
	s1 =	sshll.u32 s1, $0x11  }
0xbe: {  	s0 =	sor.u32 s1, s0  }
0xbf: {  	s0 =	sadd.s32 $0x8F2B, s0  }
0xc0: {  	[sflag:s0] =	ssyncadd.remote.s32 $0x1  }
0xc1: {  	_ =	sfence.sel $0xFFFF  }
0xc2: {  	[dreg:$0x0] =	wrdreg $0xFFFFFFFF;
	(pc) =	sbr.abs _section_cstart, $3  }
0xc3: {  	[dreg:$0x1] =	wrdreg $0xFFFFFFFF  }
0xc4: {  	_ =	task.clear_ibuf [dreg:s9], $0x2FFFF;
	_ =	strace $0x9FFFFFFF  }
0xc5: {  	(tm) =	ssettm $0x7FFFFFFF  }
tec
execute0_lowered:
.L_overlay_start_1:
0x0: {  	(tag) =	ssettag $0x1  }
0x1: {  	s1 =	stileid.u32  }
0x2: {  	p0 =	sgt.u32 s1, $0x3  }
.Ltmp0:
0x3: {  	s2 =	rddreg [dreg:$0x0];
	(pc) =	sbr.rel @p0 .LBB2_4-.Ltmp0, $4  }
0x4: {  	s4 =	rddreg [dreg:$0x1]  }
0x5: {  	s8 =	rddreg [dreg:$0x2];
	s3 =	simm.s32 $0x0  }
0x6: {  	[smem:$0x7FF] =	sst s3  }
0x7: {  	s0 =	rddreg [dreg:$0x3];
	_ =	strace $0x80000047  }
0x8: {  	s5 =	srdreg.scid  }
0x9: {  	s30 =	sshll.u32 s1, $0x1;
	s6 =	sand.u32 $0x1, s5  }
0xa: {  	s9 =	sor.u32 s6, s30  }
0xb: {  	s5 =	sadd.s32 s4, s9;
	s4 =	simm.s32 $0x2  }
0xc: {  	[tilespmem:s3], [sflag:$0x2] =	stream.linear.gather [hbm4b:s5+s3], $0x8, $0x38;
	[tilespmem:$0x880] =	vst v63  }
0xd: {  	_ =	swait.ge [sflag:s4], $0x8  }
0xe: {  	[sflag:s4] =	ssyncset.done $0x0  }
0xf: {  	[sflag:s4] =	ssyncadd.s32 $0xFFFFFFF8  }
0x10: {  	v0 =	vld.msk [tilespmem:$0x0], $0xff;
	_ =	sdelay $0x4  }
0x11: {  	v1 =	vshll.u32 v0, $0x1  }
0x12: {  	v2 =	vlaneseq.u32;
	v3 =	vand.u32 $0x7, v0;
	v1 =	vand.u32 $0xFFFFFFF0, v1  }
0x13: {  	v0 =	vand.u32 $0x7, v2;
	v2 =	vshrl.u32 v2, $0x3;
	v3 =	vor.u32 v3, v1  }
0x14: {  	v1 =	vmul.u32 $0x8, v2;
	v2 =	vperm.xlane v3, v0;
	_ =	sdelay $0x1  }
0x15: {  	v2 =	vadd.s32 v1, v2  }
0x16: {  	s10 =	ssub.s32 $0x2, s6  }
0x17: {  	s11 =	sshrl.u32 s10, $0x1  }
0x18: {  	s10 =	ssub.s32 s10, s11  }
0x19: {  	vm0 =	vmmov $0xffff;
	s7 =	simm.s32 $0x1;
	s6 =	simm.s32 $0x80;
	s31 =	smax.u32 s10, $0x1  }
0x1a: {  	[tilespmem:s6], [sflag:$0x1] =	stream.indirect_vreg.gather [hbm4b:s2+s3], $0x80, v2, vm0, $0xb8;
	[tilespmem:$0x880] =	vst v63  }
0x1b: {  	p0 =	sne.s32 s31, $0x1;
	_ =	swait.ge [sflag:s7], $0x800  }
.Ltmp1:
0x1c: {  	s9 =	sshll.u32 s9, $0x8;
	[sflag:s7] =	ssyncset.done $0x0;
	(pc) =	sbr.rel @!p0 .LBB2_3-.Ltmp1, $4  }
0x1d: {  	s8 =	sadd.s32 s8, s9;
	[sflag:s7] =	ssyncadd.s32 $0xFFFFF800  }
0x1e: {  	[hbm4b:s8+s3] =	stream.linear.scatter [tilespmem:s6], [sflag:$0x2], $0x800, $0x38;
	[tilespmem:$0x880] =	vst v63  }
0x1f: {  	_ =	swait.ge [sflag:s4], $0x800  }
0x20: {  	s9 =	sadd.s32 $0xFFFFFFFF, s31;
	[sflag:s4] =	ssyncset.done $0x0  }
.LBB2_2:
0x21: {  	p0 =	sne.s32 s9, $0x1;
	s9 =	sadd.s32 $0xFFFFFFFF, s9;
	[sflag:s4] =	ssyncadd.s32 $0xFFFFF800  }
0x22: {  	[tilespmem:s3], [sflag:$0x2] =	stream.linear.gather [hbm4b:s5+s3], $0x8, $0x38;
	[tilespmem:$0x880] =	vst v63  }
0x23: {  	_ =	swait.ge [sflag:s4], $0x8  }
0x24: {  	[sflag:s4] =	ssyncset.done $0x0  }
0x25: {  	[sflag:s4] =	ssyncadd.s32 $0xFFFFFFF8  }
0x26: {  	v2 =	vld.msk [tilespmem:$0x0], $0xff;
	_ =	sdelay $0x4  }
0x27: {  	v3 =	vshll.u32 v2, $0x1  }
0x28: {  	v2 =	vand.u32 $0x7, v2;
	v3 =	vand.u32 $0xFFFFFFF0, v3  }
0x29: {  	v2 =	vor.u32 v2, v3  }
0x2a: {  	v2 =	vperm.xlane v2, v0;
	_ =	sdelay $0x1  }
0x2b: {  	v2 =	vadd.s32 v1, v2;
	_ =	sdelay $0x4  }
0x2c: {  	[tilespmem:s6], [sflag:$0x1] =	stream.indirect_vreg.gather [hbm4b:s2+s3], $0x80, v2, vm0, $0xb8;
	[tilespmem:$0x880] =	vst v63  }
0x2d: {  	_ =	swait.ge [sflag:s7], $0x800  }
.Ltmp2:
0x2e: {  	[sflag:s7] =	ssyncset.done $0x0;
	(pc) =	sbr.rel @p0 .LBB2_2-.Ltmp2, $4  }
0x2f: {  	[sflag:s7] =	ssyncadd.s32 $0xFFFFF800  }
0x30: {  	[hbm4b:s8+s3] =	stream.linear.scatter [tilespmem:s6], [sflag:$0x2], $0x800, $0x38;
	[tilespmem:$0x880] =	vst v63  }
0x31: {  	_ =	swait.ge [sflag:s4], $0x800  }
0x32: {  	[sflag:s4] =	ssyncset.done $0x0  }
.LBB2_3:
0x33: {  	[sflag:s4] =	ssyncadd.s32 $0xFFFFF800  }
.LBB2_4:
0x34: {  	_ =	sfence.sel $0x180000  }
0x35: {  	[bflag:$0x0] =	sbarrier.arrive $0xFFFF  }
0x36: {  	p0 =	sne.s32 s1, $0x0;
	_ =	strace $0x90000047  }
0x37: {  	s0 =	sadd.s32 @!p0 $0x100000, s0;
	[bflag:$0x2] =	sbarrier.arrive $0xFFFF  }
0x38: {  	[sflag:s0] =	ssyncadd.tile.s32 @!p0 $0x1;
	_ =	shalt  }
.Lfunc_end2:
_tile_overlayer_lowered:
.L_overlay_start_2:
0x39: {  	(tag) =	ssettag $0x2  }
0x3a: {  	s0 =	rddreg [dreg:$0x0];
	s2 =	stileid.u32  }
0x3b: {  	s1 =	rddreg [dreg:$0x1];
	p0 =	sne.s32 s2, $0x0  }
0x3c: {  	s3 =	rddreg [dreg:$0x2];
	[bflag:$0x3] =	sbarrier.arrive $0xFFFF;
	s2 =	simm.s32 @!p0 $0x1C02  }
0x3d: {  	[timem:s3], [sflag:s2] =	dma.local @!p0 [hbm:s0], s1  }
0x3e: {  	s0 =	simm.s32 @!p0 $0x2  }
0x3f: {  	_ =	swait.ge @!p0 [sflag:s0], s1  }
0x40: {  	s1 =	ssub.s32 @!p0 $0x0, s1;
	[sflag:s0] =	ssyncset.done @!p0 $0x0  }
0x41: {  	[sflag:s0] =	ssyncadd.s32 @!p0 s1  }
0x42: {  	[bflag:$0x3] =	sbarrier.arrive $0xFFFF  }
0x43: {  	_ =	shalt  }

</sc_bundles>
